<compile_context>
chip_gen: v7x
topology: tpu7x:2x2x1
jax: 0.10.2.dev20260603
libtpu: 0.0.44.dev20260713+nightly
codegen_flags: <defaults>
</compile_context>

<pallas_src>
import functools

import jax
import jax.numpy as jnp
from jax import lax
from jax.experimental import pallas as pl
from jax.experimental.pallas import tpu as pltpu
from jax.experimental.pallas import tpu_sc as plsc

_B = 16384
_K = 1024
_D = 64
_BETA = 0.25
_BSZ = 4096
_GRID = _B // _BSZ
_DP = 128


def _tc_body(z_ref, emb_ref, idx_ref, loss_ref, pad_ref):
    i = pl.program_id(0)
    z = z_ref[...]
    emb = emb_ref[...]
    z2 = jnp.sum(z ** 2, axis=1, keepdims=True)
    e2 = jnp.sum(emb ** 2, axis=1)[None, :]
    ze2 = lax.dot_general(z, emb + emb, (((1,), (1,)), ((), ())),
                          preferred_element_type=jnp.float32)
    dist = z2 + e2 - ze2
    m = jnp.min(dist, axis=1, keepdims=True)
    ids = lax.broadcasted_iota(jnp.int32, (1, _K), 1).astype(jnp.float32)
    idx = jnp.min(jnp.where(dist == m, ids, jnp.float32(_K)), axis=1,
                  keepdims=True)
    idx_ref[...] = idx.astype(jnp.int32)

    @pl.when(i == 0)
    def _():
        loss_ref[...] = jnp.zeros_like(loss_ref)
        pad_ref[...] = jnp.concatenate(
            [emb, jnp.zeros((_K, _DP - _D), jnp.float32)], axis=1)

    msum = lax.dot_general(m, jnp.ones((_BSZ, 1), jnp.float32),
                           (((0,), (0,)), ((), ())),
                           preferred_element_type=jnp.float32)
    loss_ref[...] += jnp.full(loss_ref.shape, msum[0, 0], dtype=jnp.float32)


_tc_call = pl.pallas_call(
    _tc_body,
    grid=(_GRID,),
    in_specs=[
        pl.BlockSpec((_BSZ, _D), lambda i: (i, 0)),
        pl.BlockSpec((_K, _D), lambda i: (0, 0)),
    ],
    out_specs=[
        pl.BlockSpec((_BSZ, 1), lambda i: (i, 0)),
        pl.BlockSpec((8, 128), lambda i: (0, 0)),
        pl.BlockSpec((_K, _DP), lambda i: (0, 0)),
    ],
    out_shape=[
        jax.ShapeDtypeStruct((_B, 1), jnp.int32),
        jax.ShapeDtypeStruct((8, 128), jnp.float32),
        jax.ShapeDtypeStruct((_K, _DP), jnp.float32),
    ],
)


@functools.cache
def _make_sc_gather():
    nc, ns = 2, 16
    nw = nc * ns
    bpw = _B // nw
    nch = 4
    csz = bpw // nch
    mesh = plsc.VectorSubcoreMesh(core_axis_name="c", subcore_axis_name="s",
                                  num_cores=nc, num_subcores=ns)

    @functools.partial(
        pl.kernel, mesh=mesh,
        out_type=jax.ShapeDtypeStruct((_B, _DP), jnp.float32),
        scratch_types=[
            pltpu.VMEM((bpw,), jnp.int32),
            pltpu.VMEM((bpw, _DP), jnp.float32),
        ] + [pltpu.SemaphoreType.DMA] * (2 * nch),
    )
    def gather(table_hbm, idx_hbm, out_hbm, idx_v, rows_v, *sems):
        wid = lax.axis_index("s") * nc + lax.axis_index("c")
        base = wid * bpw
        pltpu.sync_copy(idx_hbm.at[pl.ds(base, bpw)], idx_v)
        gs = [pltpu.async_copy(table_hbm.at[idx_v.at[pl.ds(c * csz, csz)]],
                               rows_v.at[pl.ds(c * csz, csz)], sems[c])
              for c in range(nch)]
        ws = []
        for c in range(nch):
            gs[c].wait()
            ws.append(pltpu.async_copy(
                rows_v.at[pl.ds(c * csz, csz)],
                out_hbm.at[pl.ds(base + c * csz, csz)], sems[nch + c]))
        for w in ws:
            w.wait()

    return gather


def kernel(z_e, emb_weight):
    idx2d, loss_acc, emb_pad = _tc_call(z_e, emb_weight)
    idx = idx2d.reshape(_B)
    z_q_st = _make_sc_gather()(emb_pad, idx)[:, :_D]
    vq_loss = loss_acc[0, 0] * jnp.float32((1.0 + _BETA) / (_B * _D))
    return (z_q_st, idx, vq_loss)

# --- scband reference (transcript-rebuilt; emitter-appended) ---
"""Pipeline reference for scband-vector-quantizer-33646773797150 (READ-ONLY COPY).

The authoritative reference and input builder live on the scoring server;
editing this copy changes nothing except your own understanding.
"""

import jax, jax.numpy as jnp
import numpy as np

CODEBOOK_SIZE = 1024
EMBED_DIM = 64
BETA = 0.25
B = 16384

def setup_inputs(seed: int = 0) -> dict:
    key = jax.random.key(seed)
    k1, k2 = jax.random.split(key)
    z_e = jax.random.normal(k1, (B, EMBED_DIM), dtype=jnp.float32)
    bound = 1.0 / CODEBOOK_SIZE
    emb_weight = jax.random.uniform(k2, (CODEBOOK_SIZE, EMBED_DIM), dtype=jnp.float32, minval=-bound, maxval=bound)
    return {"z_e": z_e, "emb_weight": emb_weight}

def reference(z_e, emb_weight):
    z = z_e
    z2 = jnp.sum(z ** 2, axis=1, keepdims=True)            # (B, 1)
    e2 = jnp.sum(emb_weight ** 2, axis=1)[None, :]         # (1, K)
    ze = z @ emb_weight.T                                   # (B, K)
    dist = z2 + e2 - 2.0 * ze
    idx = jnp.argmin(dist, axis=1)                          # (B,)
    z_q = jnp.take(emb_weight, idx, axis=0)                 # (B, D)
    codebook_loss = jnp.mean((z_q - jax.lax.stop_gradient(z)) ** 2)
    commit_loss = jnp.mean((z - jax.lax.stop_gradient(z_q)) ** 2)
    vq_loss = codebook_loss + BETA * commit_loss
    z_q_st = z + jax.lax.stop_gradient(z_q - z)
    return (z_q_st, idx, vq_loss)

if __name__ == "__main__":
    import jax
    _d = setup_inputs()
    print(jax.jit(kernel)(*tuple(_d.values())))

</pallas_src>

<mosaic_0001>
#map = affine_map<(d0, d1) -> (0, 0)>
#map1 = affine_map<(d0, d1) -> (0)>
module attributes {stable_mosaic.version = 14 : i64} {
  func.func @gather(%arg0: i32, %arg1: i32, %arg2: memref<1024x128xf32, #tpu.memory_space<hbm>>, %arg3: memref<16384xi32, #tpu.memory_space<hbm>>, %arg4: memref<16384x128xf32, #tpu.memory_space<hbm>>, %arg5: memref<512xi32, #tpu.memory_space<vmem>>, %arg6: memref<512x128xf32, #tpu.memory_space<vmem>>, %arg7: memref<!tpu.dma_semaphore, #tpu.memory_space<semaphore_mem>>, %arg8: memref<!tpu.dma_semaphore, #tpu.memory_space<semaphore_mem>>, %arg9: memref<!tpu.dma_semaphore, #tpu.memory_space<semaphore_mem>>, %arg10: memref<!tpu.dma_semaphore, #tpu.memory_space<semaphore_mem>>, %arg11: memref<!tpu.dma_semaphore, #tpu.memory_space<semaphore_mem>>, %arg12: memref<!tpu.dma_semaphore, #tpu.memory_space<semaphore_mem>>, %arg13: memref<!tpu.dma_semaphore, #tpu.memory_space<semaphore_mem>>, %arg14: memref<!tpu.dma_semaphore, #tpu.memory_space<semaphore_mem>>) attributes {dimension_semantics = [#tpu.dimension_semantics<core_parallel>, #tpu.dimension_semantics<subcore_parallel>], iteration_bounds = array<i64: 2, 16>, scalar_prefetch = 0 : i64, scratch_operands = 10 : i64, tpu.core_type = #tpu.core_type<sc_vector_subcore>, window_params = [{transform_indices = #map}, {transform_indices = #map1}, {transform_indices = #map}]} {
    %mul3A = arith.constant 2 : i32
    %mul3A_0 = arith.muli %arg1, %mul3A : i32
    %add3A = arith.addi %mul3A_0, %arg0 : i32
    %mul3A_1 = arith.constant 512 : i32
    %mul3A_2 = arith.muli %add3A, %mul3A_1 : i32
    "tpu.region"() ({
      %run_scoped3A = tpu.sem_alloc : memref<!tpu.dma_semaphore, #tpu.memory_space<semaphore_mem>>
      %dma_start3A_153 = tpu.memref_slice %arg3[%mul3A_2] : memref<16384xi32, #tpu.memory_space<hbm>> -> memref<512xi32, #tpu.memory_space<hbm>>
      %dma_start3A_154 = tpu.memref_slice %arg3[%mul3A_2] : memref<16384xi32, #tpu.memory_space<hbm>> -> memref<512xi32, #tpu.memory_space<hbm>>
      tpu.enqueue_dma source(%dma_start3A_154 : memref<512xi32, #tpu.memory_space<hbm>>) target(%arg5 : memref<512xi32, #tpu.memory_space<vmem>>) target_semaphore(%run_scoped3A : memref<!tpu.dma_semaphore, #tpu.memory_space<semaphore_mem>>)
      %dma_wait3A_155 = tpu.memref_slice %arg3[%mul3A_2] : memref<16384xi32, #tpu.memory_space<hbm>> -> memref<512xi32, #tpu.memory_space<hbm>>
      %dma_wait3A_156 = tpu.memref_slice %arg3[%mul3A_2] : memref<16384xi32, #tpu.memory_space<hbm>> -> memref<512xi32, #tpu.memory_space<hbm>>
      tpu.wait_dma2 semaphore(%run_scoped3A : memref<!tpu.dma_semaphore, #tpu.memory_space<semaphore_mem>>) src(%dma_wait3A_156 : memref<512xi32, #tpu.memory_space<hbm>>) dst(%arg5 : memref<512xi32, #tpu.memory_space<vmem>>)
      tpu.yield
    }) : () -> ()
    %dma_start3A = arith.constant 0 : i32
    %dma_start3A_3 = arith.constant 0 : i32
    %dma_start3A_4 = tpu.memref_slice %arg6[%dma_start3A, %dma_start3A_3] : memref<512x128xf32, #tpu.memory_space<vmem>> -> memref<128x128xf32, #tpu.memory_space<vmem>>
    %dma_start3A_5 = arith.constant 0 : i32
    %dma_start3A_6 = tpu.memref_slice %arg5[%dma_start3A_5] : memref<512xi32, #tpu.memory_space<vmem>> -> memref<128xi32, #tpu.memory_space<vmem>>
    %dma_start3A_7 = arith.constant 0 : i32
    %dma_start3A_8 = arith.constant 0 : i32
    %dma_start3A_9 = tpu.memref_slice %arg2[%dma_start3A_7, %dma_start3A_8] : memref<1024x128xf32, #tpu.memory_space<hbm>> -> memref<1024x128xf32, #tpu.memory_space<hbm>>
    tpu.enqueue_indirect_dma source(%dma_start3A_9 : memref<1024x128xf32, #tpu.memory_space<hbm>>) target(%dma_start3A_4 : memref<128x128xf32, #tpu.memory_space<vmem>>) offsets(%dma_start3A_6 : memref<128xi32, #tpu.memory_space<vmem>>) semaphore(%arg7 : memref<!tpu.dma_semaphore, #tpu.memory_space<semaphore_mem>>)
    %dma_start3A_10 = arith.constant 128 : i32
    %dma_start3A_11 = arith.constant 0 : i32
    %dma_start3A_12 = tpu.memref_slice %arg6[%dma_start3A_10, %dma_start3A_11] : memref<512x128xf32, #tpu.memory_space<vmem>> -> memref<128x128xf32, #tpu.memory_space<vmem>>
    %dma_start3A_13 = arith.constant 128 : i32
    %dma_start3A_14 = tpu.memref_slice %arg5[%dma_start3A_13] : memref<512xi32, #tpu.memory_space<vmem>> -> memref<128xi32, #tpu.memory_space<vmem>>
    %dma_start3A_15 = arith.constant 0 : i32
    %dma_start3A_16 = arith.constant 0 : i32
    %dma_start3A_17 = tpu.memref_slice %arg2[%dma_start3A_15, %dma_start3A_16] : memref<1024x128xf32, #tpu.memory_space<hbm>> -> memref<1024x128xf32, #tpu.memory_space<hbm>>
    tpu.enqueue_indirect_dma source(%dma_start3A_17 : memref<1024x128xf32, #tpu.memory_space<hbm>>) target(%dma_start3A_12 : memref<128x128xf32, #tpu.memory_space<vmem>>) offsets(%dma_start3A_14 : memref<128xi32, #tpu.memory_space<vmem>>) semaphore(%arg8 : memref<!tpu.dma_semaphore, #tpu.memory_space<semaphore_mem>>)
    %dma_start3A_18 = arith.constant 256 : i32
    %dma_start3A_19 = arith.constant 0 : i32
    %dma_start3A_20 = tpu.memref_slice %arg6[%dma_start3A_18, %dma_start3A_19] : memref<512x128xf32, #tpu.memory_space<vmem>> -> memref<128x128xf32, #tpu.memory_space<vmem>>
    %dma_start3A_21 = arith.constant 256 : i32
    %dma_start3A_22 = tpu.memref_slice %arg5[%dma_start3A_21] : memref<512xi32, #tpu.memory_space<vmem>> -> memref<128xi32, #tpu.memory_space<vmem>>
    %dma_start3A_23 = arith.constant 0 : i32
    %dma_start3A_24 = arith.constant 0 : i32
    %dma_start3A_25 = tpu.memref_slice %arg2[%dma_start3A_23, %dma_start3A_24] : memref<1024x128xf32, #tpu.memory_space<hbm>> -> memref<1024x128xf32, #tpu.memory_space<hbm>>
    tpu.enqueue_indirect_dma source(%dma_start3A_25 : memref<1024x128xf32, #tpu.memory_space<hbm>>) target(%dma_start3A_20 : memref<128x128xf32, #tpu.memory_space<vmem>>) offsets(%dma_start3A_22 : memref<128xi32, #tpu.memory_space<vmem>>) semaphore(%arg9 : memref<!tpu.dma_semaphore, #tpu.memory_space<semaphore_mem>>)
    %dma_start3A_26 = arith.constant 384 : i32
    %dma_start3A_27 = arith.constant 0 : i32
    %dma_start3A_28 = tpu.memref_slice %arg6[%dma_start3A_26, %dma_start3A_27] : memref<512x128xf32, #tpu.memory_space<vmem>> -> memref<128x128xf32, #tpu.memory_space<vmem>>
    %dma_start3A_29 = arith.constant 384 : i32
    %dma_start3A_30 = tpu.memref_slice %arg5[%dma_start3A_29] : memref<512xi32, #tpu.memory_space<vmem>> -> memref<128xi32, #tpu.memory_space<vmem>>
    %dma_start3A_31 = arith.constant 0 : i32
    %dma_start3A_32 = arith.constant 0 : i32
    %dma_start3A_33 = tpu.memref_slice %arg2[%dma_start3A_31, %dma_start3A_32] : memref<1024x128xf32, #tpu.memory_space<hbm>> -> memref<1024x128xf32, #tpu.memory_space<hbm>>
    tpu.enqueue_indirect_dma source(%dma_start3A_33 : memref<1024x128xf32, #tpu.memory_space<hbm>>) target(%dma_start3A_28 : memref<128x128xf32, #tpu.memory_space<vmem>>) offsets(%dma_start3A_30 : memref<128xi32, #tpu.memory_space<vmem>>) semaphore(%arg10 : memref<!tpu.dma_semaphore, #tpu.memory_space<semaphore_mem>>)
    %dma_wait3A = arith.constant 0 : i32
    %dma_wait3A_34 = arith.constant 0 : i32
    %dma_wait3A_35 = tpu.memref_slice %arg6[%dma_wait3A, %dma_wait3A_34] : memref<512x128xf32, #tpu.memory_space<vmem>> -> memref<128x128xf32, #tpu.memory_space<vmem>>
    %dma_wait3A_36 = arith.constant 0 : i32
    %dma_wait3A_37 = tpu.memref_slice %arg5[%dma_wait3A_36] : memref<512xi32, #tpu.memory_space<vmem>> -> memref<128xi32, #tpu.memory_space<vmem>>
    %dma_wait3A_38 = arith.constant 0 : i32
    %dma_wait3A_39 = arith.constant 0 : i32
    %dma_wait3A_40 = tpu.memref_slice %arg2[%dma_wait3A_38, %dma_wait3A_39] : memref<1024x128xf32, #tpu.memory_space<hbm>> -> memref<1024x128xf32, #tpu.memory_space<hbm>>
    tpu.wait_indirect_dma semaphore(%arg7 : memref<!tpu.dma_semaphore, #tpu.memory_space<semaphore_mem>>) src(%dma_wait3A_40 : memref<1024x128xf32, #tpu.memory_space<hbm>>) dst(%dma_wait3A_35 : memref<128x128xf32, #tpu.memory_space<vmem>>)
    %add3A_41 = arith.constant 0 : i32
    %add3A_42 = arith.addi %mul3A_2, %add3A_41 : i32
    %dma_start3A_43 = arith.constant 0 : i32
    %dma_start3A_44 = arith.constant 0 : i32
    %dma_start3A_45 = tpu.memref_slice %arg6[%dma_start3A_43, %dma_start3A_44] : memref<512x128xf32, #tpu.memory_space<vmem>> -> memref<128x128xf32, #tpu.memory_space<vmem>>
    %dma_start3A_46 = arith.constant 0 : i32
    %dma_start3A_47 = tpu.memref_slice %arg4[%add3A_42, %dma_start3A_46] : memref<16384x128xf32, #tpu.memory_space<hbm>> -> memref<128x128xf32, #tpu.memory_space<hbm>>
    %dma_start3A_48 = arith.constant 0 : i32
    %dma_start3A_49 = tpu.memref_slice %arg4[%add3A_42, %dma_start3A_48] : memref<16384x128xf32, #tpu.memory_space<hbm>> -> memref<128x128xf32, #tpu.memory_space<hbm>>
    %dma_start3A_50 = arith.constant 0 : i32
    %dma_start3A_51 = arith.constant 0 : i32
    %dma_start3A_52 = tpu.memref_slice %arg6[%dma_start3A_50, %dma_start3A_51] : memref<512x128xf32, #tpu.memory_space<vmem>> -> memref<128x128xf32, #tpu.memory_space<vmem>>
    tpu.enqueue_dma source(%dma_start3A_52 : memref<128x128xf32, #tpu.memory_space<vmem>>) target(%dma_start3A_49 : memref<128x128xf32, #tpu.memory_space<hbm>>) target_semaphore(%arg11 : memref<!tpu.dma_semaphore, #tpu.memory_space<semaphore_mem>>)
    %dma_wait3A_53 = arith.constant 128 : i32
    %dma_wait3A_54 = arith.constant 0 : i32
    %dma_wait3A_55 = tpu.memref_slice %arg6[%dma_wait3A_53, %dma_wait3A_54] : memref<512x128xf32, #tpu.memory_space<vmem>> -> memref<128x128xf32, #tpu.memory_space<vmem>>
    %dma_wait3A_56 = arith.constant 128 : i32
    %dma_wait3A_57 = tpu.memref_slice %arg5[%dma_wait3A_56] : memref<512xi32, #tpu.memory_space<vmem>> -> memref<128xi32, #tpu.memory_space<vmem>>
    %dma_wait3A_58 = arith.constant 0 : i32
    %dma_wait3A_59 = arith.constant 0 : i32
    %dma_wait3A_60 = tpu.memref_slice %arg2[%dma_wait3A_58, %dma_wait3A_59] : memref<1024x128xf32, #tpu.memory_space<hbm>> -> memref<1024x128xf32, #tpu.memory_space<hbm>>
    tpu.wait_indirect_dma semaphore(%arg8 : memref<!tpu.dma_semaphore, #tpu.memory_space<semaphore_mem>>) src(%dma_wait3A_60 : memref<1024x128xf32, #tpu.memory_space<hbm>>) dst(%dma_wait3A_55 : memref<128x128xf32, #tpu.memory_space<vmem>>)
    %add3A_61 = arith.constant 128 : i32
    %add3A_62 = arith.addi %mul3A_2, %add3A_61 : i32
    %dma_start3A_63 = arith.constant 128 : i32
    %dma_start3A_64 = arith.constant 0 : i32
    %dma_start3A_65 = tpu.memref_slice %arg6[%dma_start3A_63, %dma_start3A_64] : memref<512x128xf32, #tpu.memory_space<vmem>> -> memref<128x128xf32, #tpu.memory_space<vmem>>
    %dma_start3A_66 = arith.constant 0 : i32
    %dma_start3A_67 = tpu.memref_slice %arg4[%add3A_62, %dma_start3A_66] : memref<16384x128xf32, #tpu.memory_space<hbm>> -> memref<128x128xf32, #tpu.memory_space<hbm>>
    %dma_start3A_68 = arith.constant 0 : i32
    %dma_start3A_69 = tpu.memref_slice %arg4[%add3A_62, %dma_start3A_68] : memref<16384x128xf32, #tpu.memory_space<hbm>> -> memref<128x128xf32, #tpu.memory_space<hbm>>
    %dma_start3A_70 = arith.constant 128 : i32
    %dma_start3A_71 = arith.constant 0 : i32
    %dma_start3A_72 = tpu.memref_slice %arg6[%dma_start3A_70, %dma_start3A_71] : memref<512x128xf32, #tpu.memory_space<vmem>> -> memref<128x128xf32, #tpu.memory_space<vmem>>
    tpu.enqueue_dma source(%dma_start3A_72 : memref<128x128xf32, #tpu.memory_space<vmem>>) target(%dma_start3A_69 : memref<128x128xf32, #tpu.memory_space<hbm>>) target_semaphore(%arg12 : memref<!tpu.dma_semaphore, #tpu.memory_space<semaphore_mem>>)
    %dma_wait3A_73 = arith.constant 256 : i32
    %dma_wait3A_74 = arith.constant 0 : i32
    %dma_wait3A_75 = tpu.memref_slice %arg6[%dma_wait3A_73, %dma_wait3A_74] : memref<512x128xf32, #tpu.memory_space<vmem>> -> memref<128x128xf32, #tpu.memory_space<vmem>>
    %dma_wait3A_76 = arith.constant 256 : i32
    %dma_wait3A_77 = tpu.memref_slice %arg5[%dma_wait3A_76] : memref<512xi32, #tpu.memory_space<vmem>> -> memref<128xi32, #tpu.memory_space<vmem>>
    %dma_wait3A_78 = arith.constant 0 : i32
    %dma_wait3A_79 = arith.constant 0 : i32
    %dma_wait3A_80 = tpu.memref_slice %arg2[%dma_wait3A_78, %dma_wait3A_79] : memref<1024x128xf32, #tpu.memory_space<hbm>> -> memref<1024x128xf32, #tpu.memory_space<hbm>>
    tpu.wait_indirect_dma semaphore(%arg9 : memref<!tpu.dma_semaphore, #tpu.memory_space<semaphore_mem>>) src(%dma_wait3A_80 : memref<1024x128xf32, #tpu.memory_space<hbm>>) dst(%dma_wait3A_75 : memref<128x128xf32, #tpu.memory_space<vmem>>)
    %add3A_81 = arith.constant 256 : i32
    %add3A_82 = arith.addi %mul3A_2, %add3A_81 : i32
    %dma_start3A_83 = arith.constant 256 : i32
    %dma_start3A_84 = arith.constant 0 : i32
    %dma_start3A_85 = tpu.memref_slice %arg6[%dma_start3A_83, %dma_start3A_84] : memref<512x128xf32, #tpu.memory_space<vmem>> -> memref<128x128xf32, #tpu.memory_space<vmem>>
    %dma_start3A_86 = arith.constant 0 : i32
    %dma_start3A_87 = tpu.memref_slice %arg4[%add3A_82, %dma_start3A_86] : memref<16384x128xf32, #tpu.memory_space<hbm>> -> memref<128x128xf32, #tpu.memory_space<hbm>>
    %dma_start3A_88 = arith.constant 0 : i32
    %dma_start3A_89 = tpu.memref_slice %arg4[%add3A_82, %dma_start3A_88] : memref<16384x128xf32, #tpu.memory_space<hbm>> -> memref<128x128xf32, #tpu.memory_space<hbm>>
    %dma_start3A_90 = arith.constant 256 : i32
    %dma_start3A_91 = arith.constant 0 : i32
    %dma_start3A_92 = tpu.memref_slice %arg6[%dma_start3A_90, %dma_start3A_91] : memref<512x128xf32, #tpu.memory_space<vmem>> -> memref<128x128xf32, #tpu.memory_space<vmem>>
    tpu.enqueue_dma source(%dma_start3A_92 : memref<128x128xf32, #tpu.memory_space<vmem>>) target(%dma_start3A_89 : memref<128x128xf32, #tpu.memory_space<hbm>>) target_semaphore(%arg13 : memref<!tpu.dma_semaphore, #tpu.memory_space<semaphore_mem>>)
    %dma_wait3A_93 = arith.constant 384 : i32
    %dma_wait3A_94 = arith.constant 0 : i32
    %dma_wait3A_95 = tpu.memref_slice %arg6[%dma_wait3A_93, %dma_wait3A_94] : memref<512x128xf32, #tpu.memory_space<vmem>> -> memref<128x128xf32, #tpu.memory_space<vmem>>
    %dma_wait3A_96 = arith.constant 384 : i32
    %dma_wait3A_97 = tpu.memref_slice %arg5[%dma_wait3A_96] : memref<512xi32, #tpu.memory_space<vmem>> -> memref<128xi32, #tpu.memory_space<vmem>>
    %dma_wait3A_98 = arith.constant 0 : i32
    %dma_wait3A_99 = arith.constant 0 : i32
    %dma_wait3A_100 = tpu.memref_slice %arg2[%dma_wait3A_98, %dma_wait3A_99] : memref<1024x128xf32, #tpu.memory_space<hbm>> -> memref<1024x128xf32, #tpu.memory_space<hbm>>
    tpu.wait_indirect_dma semaphore(%arg10 : memref<!tpu.dma_semaphore, #tpu.memory_space<semaphore_mem>>) src(%dma_wait3A_100 : memref<1024x128xf32, #tpu.memory_space<hbm>>) dst(%dma_wait3A_95 : memref<128x128xf32, #tpu.memory_space<vmem>>)
    %add3A_101 = arith.constant 384 : i32
    %add3A_102 = arith.addi %mul3A_2, %add3A_101 : i32
    %dma_start3A_103 = arith.constant 384 : i32
    %dma_start3A_104 = arith.constant 0 : i32
    %dma_start3A_105 = tpu.memref_slice %arg6[%dma_start3A_103, %dma_start3A_104] : memref<512x128xf32, #tpu.memory_space<vmem>> -> memref<128x128xf32, #tpu.memory_space<vmem>>
    %dma_start3A_106 = arith.constant 0 : i32
    %dma_start3A_107 = tpu.memref_slice %arg4[%add3A_102, %dma_start3A_106] : memref<16384x128xf32, #tpu.memory_space<hbm>> -> memref<128x128xf32, #tpu.memory_space<hbm>>
    %dma_start3A_108 = arith.constant 0 : i32
    %dma_start3A_109 = tpu.memref_slice %arg4[%add3A_102, %dma_start3A_108] : memref<16384x128xf32, #tpu.memory_space<hbm>> -> memref<128x128xf32, #tpu.memory_space<hbm>>
    %dma_start3A_110 = arith.constant 384 : i32
    %dma_start3A_111 = arith.constant 0 : i32
    %dma_start3A_112 = tpu.memref_slice %arg6[%dma_start3A_110, %dma_start3A_111] : memref<512x128xf32, #tpu.memory_space<vmem>> -> memref<128x128xf32, #tpu.memory_space<vmem>>
    tpu.enqueue_dma source(%dma_start3A_112 : memref<128x128xf32, #tpu.memory_space<vmem>>) target(%dma_start3A_109 : memref<128x128xf32, #tpu.memory_space<hbm>>) target_semaphore(%arg14 : memref<!tpu.dma_semaphore, #tpu.memory_space<semaphore_mem>>)
    %dma_wait3A_113 = arith.constant 0 : i32
    %dma_wait3A_114 = arith.constant 0 : i32
    %dma_wait3A_115 = tpu.memref_slice %arg6[%dma_wait3A_113, %dma_wait3A_114] : memref<512x128xf32, #tpu.memory_space<vmem>> -> memref<128x128xf32, #tpu.memory_space<vmem>>
    %dma_wait3A_116 = arith.constant 0 : i32
    %dma_wait3A_117 = tpu.memref_slice %arg4[%add3A_42, %dma_wait3A_116] : memref<16384x128xf32, #tpu.memory_space<hbm>> -> memref<128x128xf32, #tpu.memory_space<hbm>>
    %dma_wait3A_118 = arith.constant 0 : i32
    %dma_wait3A_119 = tpu.memref_slice %arg4[%add3A_42, %dma_wait3A_118] : memref<16384x128xf32, #tpu.memory_space<hbm>> -> memref<128x128xf32, #tpu.memory_space<hbm>>
    %dma_wait3A_120 = arith.constant 0 : i32
    %dma_wait3A_121 = arith.constant 0 : i32
    %dma_wait3A_122 = tpu.memref_slice %arg6[%dma_wait3A_120, %dma_wait3A_121] : memref<512x128xf32, #tpu.memory_space<vmem>> -> memref<128x128xf32, #tpu.memory_space<vmem>>
    tpu.wait_dma2 semaphore(%arg11 : memref<!tpu.dma_semaphore, #tpu.memory_space<semaphore_mem>>) src(%dma_wait3A_122 : memref<128x128xf32, #tpu.memory_space<vmem>>) dst(%dma_wait3A_119 : memref<128x128xf32, #tpu.memory_space<hbm>>)
    %dma_wait3A_123 = arith.constant 128 : i32
    %dma_wait3A_124 = arith.constant 0 : i32
    %dma_wait3A_125 = tpu.memref_slice %arg6[%dma_wait3A_123, %dma_wait3A_124] : memref<512x128xf32, #tpu.memory_space<vmem>> -> memref<128x128xf32, #tpu.memory_space<vmem>>
    %dma_wait3A_126 = arith.constant 0 : i32
    %dma_wait3A_127 = tpu.memref_slice %arg4[%add3A_62, %dma_wait3A_126] : memref<16384x128xf32, #tpu.memory_space<hbm>> -> memref<128x128xf32, #tpu.memory_space<hbm>>
    %dma_wait3A_128 = arith.constant 0 : i32
    %dma_wait3A_129 = tpu.memref_slice %arg4[%add3A_62, %dma_wait3A_128] : memref<16384x128xf32, #tpu.memory_space<hbm>> -> memref<128x128xf32, #tpu.memory_space<hbm>>
    %dma_wait3A_130 = arith.constant 128 : i32
    %dma_wait3A_131 = arith.constant 0 : i32
    %dma_wait3A_132 = tpu.memref_slice %arg6[%dma_wait3A_130, %dma_wait3A_131] : memref<512x128xf32, #tpu.memory_space<vmem>> -> memref<128x128xf32, #tpu.memory_space<vmem>>
    tpu.wait_dma2 semaphore(%arg12 : memref<!tpu.dma_semaphore, #tpu.memory_space<semaphore_mem>>) src(%dma_wait3A_132 : memref<128x128xf32, #tpu.memory_space<vmem>>) dst(%dma_wait3A_129 : memref<128x128xf32, #tpu.memory_space<hbm>>)
    %dma_wait3A_133 = arith.constant 256 : i32
    %dma_wait3A_134 = arith.constant 0 : i32
    %dma_wait3A_135 = tpu.memref_slice %arg6[%dma_wait3A_133, %dma_wait3A_134] : memref<512x128xf32, #tpu.memory_space<vmem>> -> memref<128x128xf32, #tpu.memory_space<vmem>>
    %dma_wait3A_136 = arith.constant 0 : i32
    %dma_wait3A_137 = tpu.memref_slice %arg4[%add3A_82, %dma_wait3A_136] : memref<16384x128xf32, #tpu.memory_space<hbm>> -> memref<128x128xf32, #tpu.memory_space<hbm>>
    %dma_wait3A_138 = arith.constant 0 : i32
    %dma_wait3A_139 = tpu.memref_slice %arg4[%add3A_82, %dma_wait3A_138] : memref<16384x128xf32, #tpu.memory_space<hbm>> -> memref<128x128xf32, #tpu.memory_space<hbm>>
    %dma_wait3A_140 = arith.constant 256 : i32
    %dma_wait3A_141 = arith.constant 0 : i32
    %dma_wait3A_142 = tpu.memref_slice %arg6[%dma_wait3A_140, %dma_wait3A_141] : memref<512x128xf32, #tpu.memory_space<vmem>> -> memref<128x128xf32, #tpu.memory_space<vmem>>
    tpu.wait_dma2 semaphore(%arg13 : memref<!tpu.dma_semaphore, #tpu.memory_space<semaphore_mem>>) src(%dma_wait3A_142 : memref<128x128xf32, #tpu.memory_space<vmem>>) dst(%dma_wait3A_139 : memref<128x128xf32, #tpu.memory_space<hbm>>)
    %dma_wait3A_143 = arith.constant 384 : i32
    %dma_wait3A_144 = arith.constant 0 : i32
    %dma_wait3A_145 = tpu.memref_slice %arg6[%dma_wait3A_143, %dma_wait3A_144] : memref<512x128xf32, #tpu.memory_space<vmem>> -> memref<128x128xf32, #tpu.memory_space<vmem>>
    %dma_wait3A_146 = arith.constant 0 : i32
    %dma_wait3A_147 = tpu.memref_slice %arg4[%add3A_102, %dma_wait3A_146] : memref<16384x128xf32, #tpu.memory_space<hbm>> -> memref<128x128xf32, #tpu.memory_space<hbm>>
    %dma_wait3A_148 = arith.constant 0 : i32
    %dma_wait3A_149 = tpu.memref_slice %arg4[%add3A_102, %dma_wait3A_148] : memref<16384x128xf32, #tpu.memory_space<hbm>> -> memref<128x128xf32, #tpu.memory_space<hbm>>
    %dma_wait3A_150 = arith.constant 384 : i32
    %dma_wait3A_151 = arith.constant 0 : i32
    %dma_wait3A_152 = tpu.memref_slice %arg6[%dma_wait3A_150, %dma_wait3A_151] : memref<512x128xf32, #tpu.memory_space<vmem>> -> memref<128x128xf32, #tpu.memory_space<vmem>>
    tpu.wait_dma2 semaphore(%arg14 : memref<!tpu.dma_semaphore, #tpu.memory_space<semaphore_mem>>) src(%dma_wait3A_152 : memref<128x128xf32, #tpu.memory_space<vmem>>) dst(%dma_wait3A_149 : memref<128x128xf32, #tpu.memory_space<hbm>>)
    return
  }
}

module attributes {stable_mosaic.version = 14 : i64} {
  func.func @_tc_body(%arg0: i32, %arg1: memref<4096x64xf32, #tpu.memory_space<vmem>>, %arg2: memref<1024x64xf32, #tpu.memory_space<vmem>>, %arg3: memref<4096x1xi32, #tpu.memory_space<vmem>>, %arg4: memref<8x128xf32, #tpu.memory_space<vmem>>, %arg5: memref<1024x128xf32, #tpu.memory_space<vmem>>) attributes {dimension_semantics = [#tpu.dimension_semantics<arbitrary>], iteration_bounds = array<i64: 4>, scalar_prefetch = 0 : i64, scratch_operands = 0 : i64, tpu.core_type = #tpu.core_type<tc>, window_params = [{transform_indices = @transform_0, window_bounds = array<i64: 4096, 64>}, {pipeline_mode = #tpu.pipeline_mode<synchronous>, transform_indices = @transform_1, window_bounds = array<i64: 1024, 64>}, {transform_indices = @transform_2, window_bounds = array<i64: 4096, 1>}, {pipeline_mode = #tpu.pipeline_mode<synchronous>, transform_indices = @transform_3, window_bounds = array<i64: 8, 128>}, {pipeline_mode = #tpu.pipeline_mode<synchronous>, transform_indices = @transform_4, window_bounds = array<i64: 1024, 128>}]} {
    %get3A = arith.constant 0 : index
    %get3A_0 = arith.constant 0 : index
    %get3A_1 = vector.load %arg1[%get3A, %get3A_0] : memref<4096x64xf32, #tpu.memory_space<vmem>>, vector<4096x64xf32>
    %get3A_2 = arith.constant 0 : index
    %get3A_3 = arith.constant 0 : index
    %get3A_4 = vector.load %arg2[%get3A_2, %get3A_3] : memref<1024x64xf32, #tpu.memory_space<vmem>>, vector<1024x64xf32>
    %integer_pow3A = arith.mulf %get3A_1, %get3A_1 : vector<4096x64xf32>
    %reduce_sum3A = arith.constant dense<0.000000e+00> : vector<4096xf32>
    %reduce_sum3A_5 = vector.multi_reduction <add>, %integer_pow3A, %reduce_sum3A [1] : vector<4096x64xf32> to vector<4096xf32>
    %broadcast_in_dim3A = vector.shape_cast %reduce_sum3A_5 : vector<4096xf32> to vector<4096x1xf32>
    %integer_pow3A_6 = arith.mulf %get3A_4, %get3A_4 : vector<1024x64xf32>
    %reduce_sum3A_7 = arith.constant dense<0.000000e+00> : vector<1024xf32>
    %reduce_sum3A_8 = vector.multi_reduction <add>, %integer_pow3A_6, %reduce_sum3A_7 [1] : vector<1024x64xf32> to vector<1024xf32>
    %broadcast_in_dim3A_9 = vector.shape_cast %reduce_sum3A_8 : vector<1024xf32> to vector<1x1024xf32>
    %add3A = arith.addf %get3A_4, %get3A_4 : vector<1024x64xf32>
    %dot_general3A = arith.constant dense<0.000000e+00> : vector<4096x1024xf32>
    %dot_general3A_10 = tpu.matmul %get3A_1, %add3A, %dot_general3A {dimension_numbers = #tpu.dot_dimension_numbers<[1], [1], [0], [0], [0, 0, 1, 0], [], []>, transpose_lhs_hint = false} : vector<4096x64xf32>, vector<1024x64xf32>, vector<4096x1024xf32> -> vector<4096x1024xf32>
    %add3A_11 = vector.broadcast %broadcast_in_dim3A : vector<4096x1xf32> to vector<4096x1024xf32>
    %add3A_12 = vector.broadcast %broadcast_in_dim3A_9 : vector<1x1024xf32> to vector<4096x1024xf32>
    %add3A_13 = arith.addf %add3A_11, %add3A_12 : vector<4096x1024xf32>
    %sub3A = arith.subf %add3A_13, %dot_general3A_10 : vector<4096x1024xf32>
    %reduce_min3A = arith.constant dense<0x7F800000> : vector<4096xf32>
    %reduce_min3A_14 = vector.multi_reduction <minimumf>, %sub3A, %reduce_min3A [1] : vector<4096x1024xf32> to vector<4096xf32>
    %broadcast_in_dim3A_15 = vector.shape_cast %reduce_min3A_14 : vector<4096xf32> to vector<4096x1xf32>
    %iota3A = tpu.iota {dimensions = array<i32: 1>} : vector<1x1024xi32>
    %convert_element_type3A = arith.sitofp %iota3A : vector<1x1024xi32> to vector<1x1024xf32>
    %eq3A = vector.broadcast %broadcast_in_dim3A_15 : vector<4096x1xf32> to vector<4096x1024xf32>
    %eq3A_16 = arith.cmpf oeq, %sub3A, %eq3A : vector<4096x1024xf32>
    %jit3A = arith.constant 1.024000e+03 : f32
    %broadcast_in_dim3A_17 = vector.shape_cast %convert_element_type3A : vector<1x1024xf32> to vector<1x1024xf32>
    %broadcast_in_dim3A_18 = vector.broadcast %broadcast_in_dim3A_17 : vector<1x1024xf32> to vector<4096x1024xf32>
    %broadcast_in_dim3A_19 = vector.broadcast %jit3A : f32 to vector<4096x1024xf32>
    %select_n3A = arith.select %eq3A_16, %broadcast_in_dim3A_18, %broadcast_in_dim3A_19 : vector<4096x1024xi1>, vector<4096x1024xf32>
    %reduce_min3A_20 = arith.constant dense<0x7F800000> : vector<4096xf32>
    %reduce_min3A_21 = vector.multi_reduction <minimumf>, %select_n3A, %reduce_min3A_20 [1] : vector<4096x1024xf32> to vector<4096xf32>
    %broadcast_in_dim3A_22 = vector.shape_cast %reduce_min3A_21 : vector<4096xf32> to vector<4096x1xf32>
    %convert_element_type3A_23 = arith.fptosi %broadcast_in_dim3A_22 : vector<4096x1xf32> to vector<4096x1xi32>
    %swap3A = arith.constant 0 : index
    %swap3A_24 = arith.constant 0 : index
    %swap3A_25 = vector.load %arg3[%swap3A, %swap3A_24] : memref<4096x1xi32, #tpu.memory_space<vmem>>, vector<4096x1xi32>
    tpu.vector_store %arg3[%swap3A, %swap3A_24], %convert_element_type3A_23 {strides = array<i32>} : memref<4096x1xi32, #tpu.memory_space<vmem>>, vector<4096x1xi32>,
    %eq3A_26 = arith.constant 0 : i32
    %eq3A_27 = arith.cmpi eq, %arg0, %eq3A_26 : i32
    %convert_element_type3A_28 = arith.extui %eq3A_27 : i1 to i32
    %cond3A = arith.constant 0 : i32
    %cond3A_29 = arith.cmpi ne, %convert_element_type3A_28, %cond3A : i32
    scf.if %cond3A_29 {
      %broadcast_in_dim3A_42 = arith.constant 0.000000e+00 : f32
      %broadcast_in_dim3A_43 = vector.broadcast %broadcast_in_dim3A_42 : f32 to vector<8x128xf32>
      %swap3A_44 = arith.constant 0 : index
      %swap3A_45 = arith.constant 0 : index
      %swap3A_46 = vector.load %arg4[%swap3A_44, %swap3A_45] : memref<8x128xf32, #tpu.memory_space<vmem>>, vector<8x128xf32>
      tpu.vector_store %arg4[%swap3A_44, %swap3A_45], %broadcast_in_dim3A_43 {strides = array<i32>} : memref<8x128xf32, #tpu.memory_space<vmem>>, vector<8x128xf32>,
      %broadcast_in_dim3A_47 = arith.constant 0.000000e+00 : f32
      %broadcast_in_dim3A_48 = vector.broadcast %broadcast_in_dim3A_47 : f32 to vector<1024x64xf32>
      %concatenate3A = tpu.concatenate %get3A_4, %broadcast_in_dim3A_48 in 1 : vector<1024x64xf32>, vector<1024x64xf32> -> vector<1024x128xf32>
      %swap3A_49 = arith.constant 0 : index
      %swap3A_50 = arith.constant 0 : index
      %swap3A_51 = vector.load %arg5[%swap3A_49, %swap3A_50] : memref<1024x128xf32, #tpu.memory_space<vmem>>, vector<1024x128xf32>
      tpu.vector_store %arg5[%swap3A_49, %swap3A_50], %concatenate3A {strides = array<i32>} : memref<1024x128xf32, #tpu.memory_space<vmem>>, vector<1024x128xf32>,
    } else {
    }
    %broadcast_in_dim3A_30 = arith.constant 1.000000e+00 : f32
    %broadcast_in_dim3A_31 = vector.broadcast %broadcast_in_dim3A_30 : f32 to vector<4096x1xf32>
    %dot_general3A_32 = arith.constant dense<0.000000e+00> : vector<1x1xf32>
    %dot_general3A_33 = tpu.matmul %broadcast_in_dim3A_15, %broadcast_in_dim3A_31, %dot_general3A_32 {dimension_numbers = #tpu.dot_dimension_numbers<[0], [0], [1], [1], [0, 1, 1, 1], [], []>, transpose_lhs_hint = false} : vector<4096x1xf32>, vector<4096x1xf32>, vector<1x1xf32> -> vector<1x1xf32>
    %get3A_34 = arith.constant 0 : index
    %get3A_35 = arith.constant 0 : index
    %get3A_36 = vector.load %arg4[%get3A_34, %get3A_35] : memref<8x128xf32, #tpu.memory_space<vmem>>, vector<8x128xf32>
    %squeeze3A = vector.extract %dot_general3A_33[0, 0] : f32 from vector<1x1xf32>
    %broadcast_in_dim3A_37 = vector.broadcast %squeeze3A : f32 to vector<8x128xf32>
    %add3A_38 = arith.addf %get3A_36, %broadcast_in_dim3A_37 : vector<8x128xf32>
    %swap3A_39 = arith.constant 0 : index
    %swap3A_40 = arith.constant 0 : index
    %swap3A_41 = vector.load %arg4[%swap3A_39, %swap3A_40] : memref<8x128xf32, #tpu.memory_space<vmem>>, vector<8x128xf32>
    tpu.vector_store %arg4[%swap3A_39, %swap3A_40], %add3A_38 {strides = array<i32>} : memref<8x128xf32, #tpu.memory_space<vmem>>, vector<8x128xf32>,
    return
  }
  func.func @transform_0(%arg0: i32) -> (i32, i32) {
    %c0_i32 = arith.constant 0 : i32
    %c0_i32_0 = arith.constant 0 : i32
    return %arg0, %c0_i32 : i32, i32
  }
  func.func @transform_1(%arg0: i32) -> (i32, i32) {
    %c0_i32 = arith.constant 0 : i32
    %c0_i32_0 = arith.constant 0 : i32
    %c0_i32_1 = arith.constant 0 : i32
    return %c0_i32, %c0_i32_0 : i32, i32
  }
  func.func @transform_2(%arg0: i32) -> (i32, i32) {
    %c0_i32 = arith.constant 0 : i32
    %c0_i32_0 = arith.constant 0 : i32
    return %arg0, %c0_i32 : i32, i32
  }
  func.func @transform_3(%arg0: i32) -> (i32, i32) {
    %c0_i32 = arith.constant 0 : i32
    %c0_i32_0 = arith.constant 0 : i32
    %c0_i32_1 = arith.constant 0 : i32
    return %c0_i32, %c0_i32_0 : i32, i32
  }
  func.func @transform_4(%arg0: i32) -> (i32, i32) {
    %c0_i32 = arith.constant 0 : i32
    %c0_i32_0 = arith.constant 0 : i32
    %c0_i32_1 = arith.constant 0 : i32
    return %c0_i32, %c0_i32_0 : i32, i32
  }
}

</mosaic_0001>

<sc_bundles>
// kernel: kernel.4.cloned.1.call-start
scs
__scs_entry_jumppad:
0x0: {  	(pc) =	sbr.rel $0x88, $3  }
0x1: {  	(tag) =	ssettag $0x0;
	lr =	simm.s32 $0x1  }
0x2: {  	[smem:$0x3F9F] =	sst lr;
	_ =	strace $0xD0000000  }
0x3: {  	_ = 	snop  }
0x4: {  	_ = 	snop  }
0x5: {  	_ = 	snop  }
0x6: {  	_ = 	snop  }
0x7: {  	_ = 	snop  }
__scs_overlays_trampoline_lowered:
0x8: {  	[smem:$0x3FAE] =	sst s0  }
0x9: {  	[smem:$0x3FAF] =	sst s1  }
0xa: {  	[smem:$0x3FB0] =	sst s2  }
0xb: {  	[smem:$0x3FB1] =	sst s3  }
0xc: {  	[smem:$0x3FB2] =	sst s4  }
0xd: {  	[smem:$0x3FB3] =	sst s5  }
0xe: {  	[smem:$0x3FB4] =	sst s6  }
0xf: {  	[smem:$0x3FB5] =	sst s7  }
0x10: {  	[smem:$0x3FB6] =	sst s8  }
0x11: {  	[smem:$0x3FB7] =	sst s9;
	s0 =	simm.s32 @!p0 $0x0  }
0x12: {  	s1 =	sld [smem:$0x3F9D];
	s0 =	simm.s32 @p0 $0x1  }
0x13: {  	[smem:$0x3FB8] =	sst s0;
	s0 =	simm.s32 @!p1 $0x0  }
0x14: {  	s2 =	sld [smem:$0x3F9C];
	s0 =	simm.s32 @p1 $0x1  }
0x15: {  	[smem:$0x3FB9] =	sst s0;
	s0 =	simm.s32 @!p2 $0x0  }
0x16: {  	s3 =	sld [smem:$0x3FDB];
	s0 =	simm.s32 @p2 $0x1  }
0x17: {  	s4 =	simm.s32 $0x1BF5;
	[smem:$0x3FBB] =	sst s0  }
0x18: {  	s0 =	sld [smem:$0x3F9E];
	_ =	swait.ge [sflag:s4], $0x0  }
0x19: {  	s7 =	sld [smem:$0x3F9F]  }
0x1a: {  	s8 =	sadd.s32 $0xFFFFE003, lr  }
0x1b: {  	s9 =	sadd.s32 $0xFFFFFEF7, lr;
	s5 =	simm.s32 $0xFFFFFFFF;
	p2 =	slt.u32 s8, $0xFFFFF086  }
0x1c: {  	p1 =	slt.u32 s9, $0xF7A;
	s5 =	simm.s32 @!p2 $0x0  }
0x1d: {  	s5 =	simm.s32 @p1 $0x1;
	p0 =	seq.s32 s7, s2  }
0x1e: {  	s7 =	smul.u32 @!p0 $0xF7A, s2;
	p2 =	seq.s32 @!p0 s5, $0x0  }
0x1f: {  	s9 =	smul.u32 $0xF7A, s1;
	s8 =	simm.s32 @!p0 $0x1BF5;
	p2 =	por !p2, p0  }
0x20: {  	[sflag:s8] =	ssyncset.s32 @!p0 $0xFFFFF086;
	s6 =	sadd.s32 @!p0 s3, s7;
	s7 =	simm.s32 @!p0 $0x108  }
0x21: {  	s3 =	sadd.s32 s3, s9;
	s6 =	sadd.s32 @!p0 $0x88, s6;
	s7 =	simm.s32 @p2 $0x1082  }
0x22: {  	[simem:s7], [sflag:s8] =	dma.local @!p0 [hbm:s6], $0xF7A  }
0x23: {  	s9 =	sor.u32 $0xD0000000, s2;
	s6 =	simm.s32 $0x108;
	_ =	swait.ge @!p0 [sflag:s8], $0x0  }
0x24: {  	s3 =	sadd.s32 $0x88, s3;
	s6 =	simm.s32 @!p1 $0x1082;
	[sflag:s4] =	ssyncset.s32 $0xFFFFF086  }
0x25: {  	[simem:s6], [sflag:s4] =	dma.local [hbm:s3], $0xF7A  }
0x26: {  	[smem:$0x3F9F] =	sst s1;
	(tag) =	ssettag s2;
	_ =	strace s9  }
0x27: {  	s1 =	sld [smem:$0x3FAF]  }
0x28: {  	s2 =	sld [smem:$0x3FB0]  }
0x29: {  	s4 =	sld [smem:$0x3FB2]  }
0x2a: {  	p0 =	seq.s32 s5, $0x0;
	s5 =	sld [smem:$0x3FB3]  }
0x2b: {  	s6 =	sld [smem:$0x3FB4]  }
0x2c: {  	s7 =	sld [smem:$0x3FB5]  }
0x2d: {  	s3 =	simm.s32 $0x108;
	s8 =	sld [smem:$0x3FB6]  }
0x2e: {  	s3 =	simm.s32 @!p0 $0x1082;
	s9 =	sld [smem:$0x3FB7]  }
0x2f: {  	lr =	sadd.s32 s0, s3;
	s0 =	sld [smem:$0x3FAE]  }
0x30: {  	s3 =	sld [smem:$0x3FB1]  }
0x31: {  	[smem:$0x3FBA] =	sst s10  }
0x32: {  	s10 =	sld [smem:$0x3FB8];
	_ =	sdelay $0x3  }
0x33: {  	p0 =	seq.s32 s10, $0x1;
	s10 =	sld [smem:$0x3FBA];
	_ =	sdelay $0x3  }
0x34: {  	[smem:$0x3FBA] =	sst s10  }
0x35: {  	s10 =	sld [smem:$0x3FB9];
	_ =	sdelay $0x3  }
0x36: {  	p1 =	seq.s32 s10, $0x1;
	s10 =	sld [smem:$0x3FBA];
	_ =	sdelay $0x3  }
0x37: {  	[smem:$0x3FBA] =	sst s10  }
0x38: {  	s10 =	sld [smem:$0x3FBB]  }
0x39: {  	_ = 	snop;
	(pc) =	sbr.ind lr, $3  }
0x3a: {  	_ = 	snop  }
0x3b: {  	_ = 	snop  }
0x3c: {  	p2 =	seq.s32 s10, $0x1;
	s10 =	sld [smem:$0x3FBA]  }
0x3d: {  	_ =	shalt  }
0x3e: {  	_ =	shalt  }
0x3f: {  	_ =	shalt  }
0x40: {  	_ =	shalt  }
0x41: {  	_ =	shalt  }
0x42: {  	_ =	shalt  }
0x43: {  	_ =	shalt  }
0x44: {  	_ =	shalt  }
0x45: {  	_ =	shalt  }
0x46: {  	_ =	shalt  }
0x47: {  	_ =	shalt  }
0x48: {  	_ =	shalt  }
0x49: {  	_ =	shalt  }
0x4a: {  	_ =	shalt  }
0x4b: {  	_ =	shalt  }
0x4c: {  	_ =	shalt  }
0x4d: {  	_ =	shalt  }
0x4e: {  	_ =	shalt  }
0x4f: {  	_ =	shalt  }
0x50: {  	_ =	shalt  }
0x51: {  	_ =	shalt  }
0x52: {  	_ =	shalt  }
0x53: {  	_ =	shalt  }
0x54: {  	_ =	shalt  }
0x55: {  	_ =	shalt  }
0x56: {  	_ =	shalt  }
0x57: {  	_ =	shalt  }
0x58: {  	_ =	shalt  }
0x59: {  	_ =	shalt  }
0x5a: {  	_ =	shalt  }
0x5b: {  	_ =	shalt  }
0x5c: {  	_ =	shalt  }
0x5d: {  	_ =	shalt  }
0x5e: {  	_ =	shalt  }
0x5f: {  	_ =	shalt  }
0x60: {  	_ =	shalt  }
0x61: {  	_ =	shalt  }
0x62: {  	_ =	shalt  }
0x63: {  	_ =	shalt  }
0x64: {  	_ =	shalt  }
0x65: {  	_ =	shalt  }
0x66: {  	_ =	shalt  }
0x67: {  	_ =	shalt  }
0x68: {  	_ =	shalt  }
0x69: {  	_ =	shalt  }
0x6a: {  	_ =	shalt  }
0x6b: {  	_ =	shalt  }
0x6c: {  	_ =	shalt  }
0x6d: {  	_ =	shalt  }
0x6e: {  	_ =	shalt  }
0x6f: {  	_ =	shalt  }
0x70: {  	_ =	shalt  }
0x71: {  	_ =	shalt  }
0x72: {  	_ =	shalt  }
0x73: {  	_ =	shalt  }
0x74: {  	_ =	shalt  }
0x75: {  	_ =	shalt  }
0x76: {  	_ =	shalt  }
0x77: {  	_ =	shalt  }
0x78: {  	_ =	shalt  }
0x79: {  	_ =	shalt  }
0x7a: {  	_ =	shalt  }
0x7b: {  	_ =	shalt  }
0x7c: {  	_ =	shalt  }
0x7d: {  	_ =	shalt  }
0x7e: {  	_ =	shalt  }
0x7f: {  	_ =	shalt  }
0x80: {  	_ =	shalt  }
0x81: {  	_ =	shalt  }
0x82: {  	_ =	shalt  }
0x83: {  	_ =	shalt  }
0x84: {  	_ =	shalt  }
0x85: {  	_ =	shalt  }
0x86: {  	_ =	shalt  }
0x87: {  	_ =	shalt  }
.Lfunc_end0:
.L_simem_size_0:
called_computation_lowered:
.L_overlay_start_0:
0x88: {  	s2 =	sld [smem:$0x3FD9]  }
0x89: {  	s3 =	sld [smem:$0x3FFE];
	_ =	sdelay $0x1  }
0x8a: {  	s1 =	srdreg.scid  }
0x8b: {  	s0 =	sand.u32 $0x1, s1  }
0x8c: {  	s14 =	sshll.u32 s0, $0xA;
	s2 =	sadd.s32 s3, s2  }
0x8d: {  	s2 =	sadd.s32 s2, s14  }
0x8e: {  	[smem:$0x3FC6] =	sst s2  }
0x8f: {  	_ = 	snop  }
0x90: {  	s2 =	sld [smem:$0x3FD0];
	_ =	sdelay $0x2  }
0x91: {  	s15 =	simm.s32 $0xA;
	s4 =	simm.s32 $0x10  }
0x92: {  	[smem:s4], [sflag:s15] =	dma.local [hbm:s2], $0x1  }
0x93: {  	_ =	swait.eq [sflag:s15], $0x1  }
0x94: {  	[sflag:s15] =	ssyncset.done $0x0  }
0x95: {  	s16 =	sld [smem:$0x10];
	[sflag:s15] =	ssyncadd.s32 $0xFFFFFFFF  }
0x96: {  	s17 =	sld [smem:$0x11];
	(tm) =	ssettm $0x1  }
0x97: {  	s18 =	sld [smem:$0x3FFB];
	_ =	sdelay $0x3  }
0x98: {  	_ =	strace s18  }
0x99: {  	s4 =	sld [smem:$0x3FFC];
	_ =	sdelay $0x3  }
0x9a: {  	_ =	strace s4  }
0x9b: {  	s4 =	sld [smem:$0x3FFD];
	_ =	sdelay $0x3  }
0x9c: {  	_ =	strace s4  }
0x9d: {  	_ =	strace $0x8FFFFFFF  }
0x9e: {  	s19 =	sld [smem:$0x3FDB];
	_ =	sdelay $0x1  }
0x9f: {  	s5 =	simm.s32 $_scs_section_size  }
0xa0: {  	s6 =	simm.s32 $_size__tile_overlayer_lowered;
	s7 =	simm.s32 $_tile_overlayer_lowered  }
0xa1: {  	s22 =	simm.s32 $0x1BFF;
	s21 =	sshll.u32 s7, $0x1;
	s4 =	sadd.s32 s5, s19  }
0xa2: {  	s8 =	simm.s32 $0x0;
	s20 =	sshll.u32 s6, $0x1;
	s6 =	sadd.s32 s21, s4  }
0xa3: {  	[timem:s8], [sflag:s22] =	dma.local [hbm:s6], s20  }
0xa4: {  	_ =	swait.ge [sflag:s22], s20  }
0xa5: {  	s5 =	ssub.s32 $0x0, s20;
	[sflag:s22] =	ssyncset.done $0x0  }
0xa6: {  	[sflag:s22] =	ssyncadd.s32 s5;
	_ =	sdelay $0x1  }
0xa7: {  	s23 =	simm.s32 $0x1B8B  }
0xa8: {  	_ =	swait.ge [sflag:s23], $0x1  }
0xa9: {  	[sflag:s23] =	ssyncset.done $0x0  }
0xaa: {  	s25 =	simm.s32 $0x1B8E;
	s24 =	sld [smem:$0x3FFE];
	[sflag:s23] =	ssyncadd.s32 $0xFFFFFFFF  }
0xab: {  	s26 =	simm.s32 $execute0_lowered;
	[smem:$0x3FD2] =	sst s25  }
0xac: {  	s6 =	sshll.u32 s26, $0x1;
	_ =	strace $0x80000046;
	[dreg:$0x1] =	wrdreg $0xFFFFFFFF  }
0xad: {  	s28 =	simm.s32 $_size_execute0_lowered;
	s4 =	sadd.s32 s4, s6;
	[dreg:$0x0] =	wrdreg $0x0  }
0xae: {  	s6 =	sshll.u32 s28, $0x1;
	[dreg:$0x2] =	wrdreg s4  }
0xaf: {  	[dreg:$0x3] =	wrdreg s6  }
0xb0: {  	[dreg:$0x4] =	wrdreg $0xC0  }
0xb1: {  	_ =	task [dreg:s8], $0x5FFFF  }
0xb2: {  	[dreg:$0x1] =	wrdreg $0xFFFFFFFF  }
0xb3: {  	[dreg:$0x0] =	wrdreg $0x60  }
0xb4: {  	[dreg:$0x2] =	wrdreg s16  }
0xb5: {  	[dreg:$0x3] =	wrdreg s17  }
0xb6: {  	[dreg:$0x4] =	wrdreg s24  }
0xb7: {  	[dreg:$0x5] =	wrdreg $0x9  }
0xb8: {  	_ =	task.clear_ibuf [dreg:s8], $0x6FFFF;
	_ =	strace $0x90000046  }
0xb9: {  	s29 =	simm.s32 $0x9;
	_ =	strace $0x80000048  }
0xba: {  	_ =	swait.ge [sflag:s29], $0x1  }
0xbb: {  	[sflag:s29] =	ssyncadd.s32 $0xFFFFFFFF  }
0xbc: {  	_ =	strace $0x90000048  }
0xbd: {  	_ =	sfence  }
0xbe: {  	s30 =	sld [smem:$0x0];
	_ =	sdelay $0x2  }
0xbf: {  	s31 =	sshll.u32 s1, $0xD;
	s1 =	sshrl.u32 s1, $0x2  }
0xc0: {  	s3 =	sand.u32 $0x4000, s31;
	s1 =	sadd.s32 s1, s30  }
0xc1: {  	s0 =	sor.u32 s3, s0;
	s1 =	sshll.u32 s1, $0x11  }
0xc2: {  	s0 =	sor.u32 s1, s0  }
0xc3: {  	s0 =	sadd.s32 $0x8F2B, s0  }
0xc4: {  	[sflag:s0] =	ssyncadd.remote.s32 $0x1  }
0xc5: {  	_ =	sfence.sel $0xFFFF  }
0xc6: {  	[dreg:$0x0] =	wrdreg $0xFFFFFFFF;
	(pc) =	sbr.abs _section_cstart, $3  }
0xc7: {  	[dreg:$0x1] =	wrdreg $0xFFFFFFFF  }
0xc8: {  	_ =	task.clear_ibuf [dreg:s8], $0x2FFFF;
	_ =	strace $0x9FFFFFFF  }
0xc9: {  	(tm) =	ssettm $0x7FFFFFFF  }
tec
execute0_lowered:
.L_overlay_start_1:
0x0: {  	(tag) =	ssettag $0x1  }
0x1: {  	s1 =	rddreg [dreg:$0x0];
	s2 =	srdreg.scid  }
0x2: {  	s4 =	rddreg [dreg:$0x1];
	s0 =	stileid.u32;
	s23 =	sand.u32 $0x1, s2  }
0x3: {  	s14 =	rddreg [dreg:$0x2];
	s5 =	sshll.u32 s0, $0xA;
	s6 =	sshll.u32 s23, $0x9  }
0x4: {  	s3 =	simm.s32 $0x0;
	s2 =	rddreg [dreg:$0x3];
	s15 =	sor.u32 s6, s5  }
0x5: {  	[smem:$0x7FF] =	sst s3;
	s5 =	sshrl.u32 s15, $0x3  }
0x6: {  	_ =	strace $0x80000047;
	s4 =	sadd.s32 s4, s5;
	s5 =	simm.s32 $0x9  }
0x7: {  	[tilespmem:s3], [sflag:$0x9] =	stream.linear.gather [hbm4b:s4+s3], $0x200, $0x38;
	[tilespmem:$0x10200] =	vst v63  }
0x8: {  	_ =	swait.ge [sflag:s5], $0x200  }
0x9: {  	[sflag:s5] =	ssyncset.done $0x0  }
0xa: {  	s7 =	simm.s32 $0x200;
	s6 =	simm.s32 $0x80;
	[sflag:s5] =	ssyncadd.s32 $0xFFFFFE00  }
0xb: {  	[tilespmem:s7], [sflag:$0x1] =	stream.indirect.gather [hbm4b:s1+s6], $0x80, s3, s6, $0xb8;
	[tilespmem:$0x10200] =	vst v63  }
0xc: {  	s8 =	simm.s32 $0x4200  }
0xd: {  	[tilespmem:s8], [sflag:$0x2] =	stream.indirect.gather [hbm4b:s1+s6], $0x80, s6, s6, $0xb8;
	[tilespmem:$0x10200] =	vst v63  }
0xe: {  	s9 =	simm.s32 $0x100;
	s10 =	simm.s32 $0x8200  }
0xf: {  	[tilespmem:s10], [sflag:$0x3] =	stream.indirect.gather [hbm4b:s1+s6], $0x80, s9, s6, $0xb8;
	[tilespmem:$0x10200] =	vst v63  }
0x10: {  	s11 =	simm.s32 $0x180;
	s12 =	simm.s32 $0xC200;
	s13 =	simm.s32 $0x1  }
0x11: {  	[tilespmem:s12], [sflag:$0x4] =	stream.indirect.gather [hbm4b:s1+s6], $0x80, s11, s6, $0xb8;
	[tilespmem:$0x10200] =	vst v63  }
0x12: {  	s15 =	sshll.u32 s15, $0x4;
	_ =	swait.ge [sflag:s13], $0x4000  }
0x13: {  	s20 =	sadd.s32 s15, s14;
	[sflag:s13] =	ssyncset.done $0x0  }
0x14: {  	s15 =	simm.s32 $0x2;
	s14 =	sadd.s32 $0x400, s20;
	[sflag:s13] =	ssyncadd.s32 $0xFFFFC000  }
0x15: {  	[hbm4b:s14+s3] =	stream.linear.scatter [tilespmem:s7], [sflag:$0x5], $0x4000, $0x38;
	[tilespmem:$0x10200] =	vst v63  }
0x16: {  	_ =	swait.ge [sflag:s15], $0x4000  }
0x17: {  	[sflag:s15] =	ssyncset.done $0x0  }
0x18: {  	s17 =	simm.s32 $0x3;
	s16 =	sadd.s32 $0xC00, s20;
	[sflag:s15] =	ssyncadd.s32 $0xFFFFC000  }
0x19: {  	[hbm4b:s16+s3] =	stream.linear.scatter [tilespmem:s8], [sflag:$0x6], $0x4000, $0x38;
	[tilespmem:$0x10200] =	vst v63  }
0x1a: {  	_ =	swait.ge [sflag:s17], $0x4000  }
0x1b: {  	[sflag:s17] =	ssyncset.done $0x0  }
0x1c: {  	s19 =	simm.s32 $0x4;
	s18 =	sadd.s32 $0x1400, s20;
	[sflag:s17] =	ssyncadd.s32 $0xFFFFC000  }
0x1d: {  	[hbm4b:s18+s3] =	stream.linear.scatter [tilespmem:s10], [sflag:$0x7], $0x4000, $0x38;
	[tilespmem:$0x10200] =	vst v63  }
0x1e: {  	_ =	swait.ge [sflag:s19], $0x4000  }
0x1f: {  	[sflag:s19] =	ssyncset.done $0x0  }
0x20: {  	s21 =	simm.s32 $0x5;
	s20 =	sadd.s32 $0x1C00, s20;
	[sflag:s19] =	ssyncadd.s32 $0xFFFFC000  }
0x21: {  	[hbm4b:s20+s3] =	stream.linear.scatter [tilespmem:s12], [sflag:$0x8], $0x4000, $0x38;
	[tilespmem:$0x10200] =	vst v63  }
0x22: {  	_ =	swait.ge [sflag:s21], $0x4000  }
0x23: {  	s24 =	ssub.s32 $0x2, s23;
	[sflag:s21] =	ssyncset.done $0x0  }
0x24: {  	s22 =	simm.s32 $0x6;
	s25 =	sshrl.u32 s24, $0x1;
	[sflag:s21] =	ssyncadd.s32 $0xFFFFC000  }
0x25: {  	s24 =	ssub.s32 s24, s25;
	_ =	swait.ge [sflag:s22], $0x4000  }
0x26: {  	s25 =	smax.u32 s24, $0x1;
	[sflag:s22] =	ssyncset.done $0x0  }
0x27: {  	s23 =	simm.s32 $0x7;
	p0 =	sne.s32 s25, $0x1;
	[sflag:s22] =	ssyncadd.s32 $0xFFFFC000  }
.Ltmp0:
0x28: {  	_ =	swait.ge [sflag:s23], $0x4000;
	(pc) =	sbr.rel @!p0 .LBB2_2-.Ltmp0, $4  }
0x29: {  	[sflag:s23] =	ssyncset.done $0x0  }
0x2a: {  	s24 =	simm.s32 $0x8;
	[sflag:s23] =	ssyncadd.s32 $0xFFFFC000  }
0x2b: {  	_ =	swait.ge [sflag:s24], $0x4000  }
0x2c: {  	s25 =	sadd.s32 $0xFFFFFFFF, s25;
	[sflag:s24] =	ssyncset.done $0x0  }
.LBB2_1:
0x2d: {  	p0 =	sne.s32 s25, $0x1;
	s25 =	sadd.s32 $0xFFFFFFFF, s25;
	[sflag:s24] =	ssyncadd.s32 $0xFFFFC000  }
0x2e: {  	[tilespmem:s3], [sflag:$0x9] =	stream.linear.gather [hbm4b:s4+s3], $0x200, $0x38;
	[tilespmem:$0x10200] =	vst v63  }
0x2f: {  	_ =	swait.ge [sflag:s5], $0x200  }
0x30: {  	[sflag:s5] =	ssyncset.done $0x0  }
0x31: {  	[sflag:s5] =	ssyncadd.s32 $0xFFFFFE00  }
0x32: {  	[tilespmem:s7], [sflag:$0x1] =	stream.indirect.gather [hbm4b:s1+s6], $0x80, s3, s6, $0xb8;
	[tilespmem:$0x10200] =	vst v63  }
0x33: {  	_ = 	snop  }
0x34: {  	[tilespmem:s8], [sflag:$0x2] =	stream.indirect.gather [hbm4b:s1+s6], $0x80, s6, s6, $0xb8;
	[tilespmem:$0x10200] =	vst v63  }
0x35: {  	_ = 	snop  }
0x36: {  	[tilespmem:s10], [sflag:$0x3] =	stream.indirect.gather [hbm4b:s1+s6], $0x80, s9, s6, $0xb8;
	[tilespmem:$0x10200] =	vst v63  }
0x37: {  	_ = 	snop  }
0x38: {  	[tilespmem:s12], [sflag:$0x4] =	stream.indirect.gather [hbm4b:s1+s6], $0x80, s11, s6, $0xb8;
	[tilespmem:$0x10200] =	vst v63  }
0x39: {  	_ =	swait.ge [sflag:s13], $0x4000  }
0x3a: {  	[sflag:s13] =	ssyncset.done $0x0  }
0x3b: {  	[sflag:s13] =	ssyncadd.s32 $0xFFFFC000  }
0x3c: {  	[hbm4b:s14+s3] =	stream.linear.scatter [tilespmem:s7], [sflag:$0x5], $0x4000, $0x38;
	[tilespmem:$0x10200] =	vst v63  }
0x3d: {  	_ =	swait.ge [sflag:s15], $0x4000  }
0x3e: {  	[sflag:s15] =	ssyncset.done $0x0  }
0x3f: {  	[sflag:s15] =	ssyncadd.s32 $0xFFFFC000  }
0x40: {  	[hbm4b:s16+s3] =	stream.linear.scatter [tilespmem:s8], [sflag:$0x6], $0x4000, $0x38;
	[tilespmem:$0x10200] =	vst v63  }
0x41: {  	_ =	swait.ge [sflag:s17], $0x4000  }
0x42: {  	[sflag:s17] =	ssyncset.done $0x0  }
0x43: {  	[sflag:s17] =	ssyncadd.s32 $0xFFFFC000  }
0x44: {  	[hbm4b:s18+s3] =	stream.linear.scatter [tilespmem:s10], [sflag:$0x7], $0x4000, $0x38;
	[tilespmem:$0x10200] =	vst v63  }
0x45: {  	_ =	swait.ge [sflag:s19], $0x4000  }
0x46: {  	[sflag:s19] =	ssyncset.done $0x0  }
0x47: {  	[sflag:s19] =	ssyncadd.s32 $0xFFFFC000  }
0x48: {  	[hbm4b:s20+s3] =	stream.linear.scatter [tilespmem:s12], [sflag:$0x8], $0x4000, $0x38;
	[tilespmem:$0x10200] =	vst v63  }
0x49: {  	_ =	swait.ge [sflag:s21], $0x4000  }
0x4a: {  	[sflag:s21] =	ssyncset.done $0x0  }
0x4b: {  	[sflag:s21] =	ssyncadd.s32 $0xFFFFC000  }
0x4c: {  	_ =	swait.ge [sflag:s22], $0x4000  }
0x4d: {  	[sflag:s22] =	ssyncset.done $0x0  }
0x4e: {  	[sflag:s22] =	ssyncadd.s32 $0xFFFFC000  }
.Ltmp1:
0x4f: {  	_ =	swait.ge [sflag:s23], $0x4000;
	(pc) =	sbr.rel @p0 .LBB2_1-.Ltmp1, $4  }
0x50: {  	[sflag:s23] =	ssyncset.done $0x0  }
0x51: {  	[sflag:s23] =	ssyncadd.s32 $0xFFFFC000  }
0x52: {  	_ =	swait.ge [sflag:s24], $0x4000  }
0x53: {  	[sflag:s24] =	ssyncset.done $0x0  }
.LBB2_2:
0x54: {  	[sflag:s24] =	ssyncadd.s32 $0xFFFFC000  }
0x55: {  	_ =	sfence.sel $0x180000  }
0x56: {  	[bflag:$0x0] =	sbarrier.arrive $0xFFFF  }
0x57: {  	p0 =	sne.s32 s0, $0x0;
	_ =	strace $0x90000047  }
0x58: {  	s0 =	sadd.s32 @!p0 $0x100000, s2;
	[bflag:$0x2] =	sbarrier.arrive $0xFFFF  }
0x59: {  	[sflag:s0] =	ssyncadd.tile.s32 @!p0 $0x1;
	_ =	shalt  }
.Lfunc_end2:
_tile_overlayer_lowered:
.L_overlay_start_2:
0x5a: {  	(tag) =	ssettag $0x2  }
0x5b: {  	s0 =	rddreg [dreg:$0x0];
	s2 =	stileid.u32  }
0x5c: {  	s1 =	rddreg [dreg:$0x1];
	p0 =	sne.s32 s2, $0x0  }
0x5d: {  	s3 =	rddreg [dreg:$0x2];
	[bflag:$0x3] =	sbarrier.arrive $0xFFFF;
	s2 =	simm.s32 @!p0 $0x1C09  }
0x5e: {  	[timem:s3], [sflag:s2] =	dma.local @!p0 [hbm:s0], s1  }
0x5f: {  	s0 =	simm.s32 @!p0 $0x9  }
0x60: {  	_ =	swait.ge @!p0 [sflag:s0], s1  }
0x61: {  	s1 =	ssub.s32 @!p0 $0x0, s1;
	[sflag:s0] =	ssyncset.done @!p0 $0x0  }
0x62: {  	[sflag:s0] =	ssyncadd.s32 @!p0 s1  }
0x63: {  	[bflag:$0x3] =	sbarrier.arrive $0xFFFF  }
0x64: {  	_ =	shalt  }

</sc_bundles>
